<compile_context>
chip_gen: v7x
topology: tpu7x:2x2x1
jax: 0.10.2.dev20260603
libtpu: 0.0.44.dev20260713+nightly
codegen_flags: <defaults>
</compile_context>

<pallas_src>
import functools

import jax
import jax.numpy as jnp
from jax import lax
from jax.experimental import pallas as pl
from jax.experimental.pallas import tpu as pltpu
from jax.experimental.pallas import tpu_sc as plsc

_B, _S, _E = 4, 8192, 1024
_N = _B * _S
_NW = 32
_RW = _N // _NW
_K = 16
_T = _RW // _K
_NB = 4

_mesh = plsc.VectorSubcoreMesh(core_axis_name="c", subcore_axis_name="s")


@functools.partial(
    pl.kernel,
    mesh=_mesh,
    compiler_params=pltpu.CompilerParams(needs_layout_passes=False),
    out_type=jax.ShapeDtypeStruct((_N, _E), jnp.float32),
    scratch_types=[
        pltpu.VMEM((_NB * _K, _E), jnp.float32),
        pltpu.SemaphoreType.DMA,
        pltpu.SemaphoreType.DMA,
    ],
)
def _sc_copy(emb_hbm, num_hbm, msk_hbm, w_hbm, b_hbm, out_hbm,
             gbuf, sem_g, sem_cs):
    wid = lax.axis_index("s") * 2 + lax.axis_index("c")
    base = wid * _RW

    def gslot(t):
        return gbuf.at[pl.ds(lax.rem(t, _NB) * _K, _K)]

    def gstart(t):
        pltpu.async_copy(emb_hbm.at[pl.ds(base + t * _K, _K)], gslot(t),
                         sem_g)

    def gwait(t):
        pltpu.make_async_copy(emb_hbm.at[pl.ds(base + t * _K, _K)],
                              gslot(t), sem_g).wait()

    def sstart(t):
        pltpu.async_copy(gslot(t), out_hbm.at[pl.ds(base + t * _K, _K)],
                         sem_cs)

    def swait(t):
        pltpu.make_async_copy(gslot(t),
                              out_hbm.at[pl.ds(base + t * _K, _K)],
                              sem_cs).wait()

    for _p in range(_NB):
        gstart(_p)

    def body(t, _):
        @pl.when(t >= 1)
        def _():
            swait(t - 1)

            @pl.when(t + _NB - 1 < _T)
            def _():
                gstart(t + _NB - 1)

        gwait(t)
        sstart(t)
        return 0
    lax.fori_loop(0, _T, body, 0)
    swait(_T - 1)


def kernel(embeds, numbers, is_numbers, W, b):
    emb = embeds.reshape(_N, _E)
    num = numbers.reshape(_N)
    msk = is_numbers.reshape(_N).astype(jnp.int32)
    out = _sc_copy(emb, num, msk, W.reshape(_E), b)
    return out.reshape(_B, _S, _E)

# --- scband reference (transcript-rebuilt; emitter-appended) ---
"""Pipeline reference for scband-number-fill-embed-25726854103623 (READ-ONLY COPY).

The authoritative reference and input builder live on the scoring server;
editing this copy changes nothing except your own understanding.
"""

import jax, jax.numpy as jnp
import numpy as np

B, S, EMBED_SIZE = 4, 8192, 1024

def setup_inputs(seed: int = 0) -> dict:
    key = jax.random.key(seed)
    k1, k2, k3, k4, k5 = jax.random.split(key, 5)
    embeds = jax.random.normal(k1, (B, S, EMBED_SIZE), dtype=jnp.float32)
    numbers = jax.random.uniform(k2, (B, S), dtype=jnp.float32)
    is_numbers = jax.random.randint(k3, (B, S), 0, 2) > 0
    # nn.Linear(1, embed_size): weight [E, 1], bias [E], default U(-1, 1) since fan_in=1
    W = jax.random.uniform(k4, (EMBED_SIZE, 1), minval=-1.0, maxval=1.0, dtype=jnp.float32)
    b = jax.random.uniform(k5, (EMBED_SIZE,), minval=-1.0, maxval=1.0, dtype=jnp.float32)
    return {"embeds": embeds, "numbers": numbers, "is_numbers": is_numbers, "W": W, "b": b}

def run_number_embed(numbers, W, b):
    # do_pre_lin_log=False -> no log; post_lin_activation='ReLU'
    x = numbers[..., None]  # [..., 1]
    h = x @ W.T + b         # Linear(1, E)
    return jax.nn.relu(h)

def reference(embeds, numbers, is_numbers, W, b):
    # torch: embeds[is_numbers] = 0 * embeds[is_numbers] + number_embeds
    # i.e. masked overwrite of embedding rows with the computed number embeddings
    number_embeds = run_number_embed(numbers, W, b)
    out = jnp.where(is_numbers[..., None], number_embeds, embeds)
    return out

if __name__ == "__main__":
    import jax
    _d = setup_inputs()
    print(jax.jit(kernel)(*tuple(_d.values())))

</pallas_src>

<mosaic_0001>
#map = affine_map<(d0, d1) -> (0, 0)>
#map1 = affine_map<(d0, d1) -> (0)>
module attributes {stable_mosaic.version = 14 : i64} {
  func.func @_sc_copy(%arg0: i32, %arg1: i32, %arg2: memref<32768x1024xf32, #tpu.memory_space<hbm>>, %arg3: memref<32768xf32, #tpu.memory_space<hbm>>, %arg4: memref<32768xi32, #tpu.memory_space<hbm>>, %arg5: memref<1024xf32, #tpu.memory_space<hbm>>, %arg6: memref<1024xf32, #tpu.memory_space<hbm>>, %arg7: memref<32768x1024xf32, #tpu.memory_space<hbm>>, %arg8: memref<64x1024xf32, #tpu.memory_space<vmem>>, %arg9: memref<!tpu.dma_semaphore, #tpu.memory_space<semaphore_mem>>, %arg10: memref<!tpu.dma_semaphore, #tpu.memory_space<semaphore_mem>>) attributes {dimension_semantics = [#tpu.dimension_semantics<core_parallel>, #tpu.dimension_semantics<subcore_parallel>], iteration_bounds = array<i64: 2, 16>, scalar_prefetch = 0 : i64, scratch_operands = 3 : i64, tpu.core_type = #tpu.core_type<sc_vector_subcore>, window_params = [{transform_indices = #map}, {transform_indices = #map1}, {transform_indices = #map1}, {transform_indices = #map1}, {transform_indices = #map1}, {transform_indices = #map}]} {
    %mul3A = arith.constant 2 : i32
    %mul3A_0 = arith.muli %arg1, %mul3A : i32
    %add3A = arith.addi %mul3A_0, %arg0 : i32
    %mul3A_1 = arith.constant 1024 : i32
    %mul3A_2 = arith.muli %add3A, %mul3A_1 : i32
    %add3A_3 = arith.constant 0 : i32
    %add3A_4 = arith.addi %mul3A_2, %add3A_3 : i32
    %rem3A = arith.constant 0 : i32
    %rem3A_5 = arith.constant 4 : i32
    %rem3A_6 = arith.remsi %rem3A, %rem3A_5 : i32
    %mul3A_7 = arith.constant 16 : i32
    %mul3A_8 = arith.muli %rem3A_6, %mul3A_7 : i32
    %dma_start3A = arith.constant 0 : i32
    %dma_start3A_9 = tpu.memref_slice %arg8[%mul3A_8, %dma_start3A] : memref<64x1024xf32, #tpu.memory_space<vmem>> -> memref<16x1024xf32, #tpu.memory_space<vmem>>
    %dma_start3A_10 = arith.constant 0 : i32
    %dma_start3A_11 = tpu.memref_slice %arg2[%add3A_4, %dma_start3A_10] : memref<32768x1024xf32, #tpu.memory_space<hbm>> -> memref<16x1024xf32, #tpu.memory_space<hbm>>
    %dma_start3A_12 = arith.constant 0 : i32
    %dma_start3A_13 = tpu.memref_slice %arg8[%mul3A_8, %dma_start3A_12] : memref<64x1024xf32, #tpu.memory_space<vmem>> -> memref<16x1024xf32, #tpu.memory_space<vmem>>
    %dma_start3A_14 = arith.constant 0 : i32
    %dma_start3A_15 = tpu.memref_slice %arg2[%add3A_4, %dma_start3A_14] : memref<32768x1024xf32, #tpu.memory_space<hbm>> -> memref<16x1024xf32, #tpu.memory_space<hbm>>
    tpu.enqueue_dma source(%dma_start3A_15 : memref<16x1024xf32, #tpu.memory_space<hbm>>) target(%dma_start3A_13 : memref<16x1024xf32, #tpu.memory_space<vmem>>) target_semaphore(%arg9 : memref<!tpu.dma_semaphore, #tpu.memory_space<semaphore_mem>>)
    %add3A_16 = arith.constant 16 : i32
    %add3A_17 = arith.addi %mul3A_2, %add3A_16 : i32
    %rem3A_18 = arith.constant 1 : i32
    %rem3A_19 = arith.constant 4 : i32
    %rem3A_20 = arith.remsi %rem3A_18, %rem3A_19 : i32
    %mul3A_21 = arith.constant 16 : i32
    %mul3A_22 = arith.muli %rem3A_20, %mul3A_21 : i32
    %dma_start3A_23 = arith.constant 0 : i32
    %dma_start3A_24 = tpu.memref_slice %arg8[%mul3A_22, %dma_start3A_23] : memref<64x1024xf32, #tpu.memory_space<vmem>> -> memref<16x1024xf32, #tpu.memory_space<vmem>>
    %dma_start3A_25 = arith.constant 0 : i32
    %dma_start3A_26 = tpu.memref_slice %arg2[%add3A_17, %dma_start3A_25] : memref<32768x1024xf32, #tpu.memory_space<hbm>> -> memref<16x1024xf32, #tpu.memory_space<hbm>>
    %dma_start3A_27 = arith.constant 0 : i32
    %dma_start3A_28 = tpu.memref_slice %arg8[%mul3A_22, %dma_start3A_27] : memref<64x1024xf32, #tpu.memory_space<vmem>> -> memref<16x1024xf32, #tpu.memory_space<vmem>>
    %dma_start3A_29 = arith.constant 0 : i32
    %dma_start3A_30 = tpu.memref_slice %arg2[%add3A_17, %dma_start3A_29] : memref<32768x1024xf32, #tpu.memory_space<hbm>> -> memref<16x1024xf32, #tpu.memory_space<hbm>>
    tpu.enqueue_dma source(%dma_start3A_30 : memref<16x1024xf32, #tpu.memory_space<hbm>>) target(%dma_start3A_28 : memref<16x1024xf32, #tpu.memory_space<vmem>>) target_semaphore(%arg9 : memref<!tpu.dma_semaphore, #tpu.memory_space<semaphore_mem>>)
    %add3A_31 = arith.constant 32 : i32
    %add3A_32 = arith.addi %mul3A_2, %add3A_31 : i32
    %rem3A_33 = arith.constant 2 : i32
    %rem3A_34 = arith.constant 4 : i32
    %rem3A_35 = arith.remsi %rem3A_33, %rem3A_34 : i32
    %mul3A_36 = arith.constant 16 : i32
    %mul3A_37 = arith.muli %rem3A_35, %mul3A_36 : i32
    %dma_start3A_38 = arith.constant 0 : i32
    %dma_start3A_39 = tpu.memref_slice %arg8[%mul3A_37, %dma_start3A_38] : memref<64x1024xf32, #tpu.memory_space<vmem>> -> memref<16x1024xf32, #tpu.memory_space<vmem>>
    %dma_start3A_40 = arith.constant 0 : i32
    %dma_start3A_41 = tpu.memref_slice %arg2[%add3A_32, %dma_start3A_40] : memref<32768x1024xf32, #tpu.memory_space<hbm>> -> memref<16x1024xf32, #tpu.memory_space<hbm>>
    %dma_start3A_42 = arith.constant 0 : i32
    %dma_start3A_43 = tpu.memref_slice %arg8[%mul3A_37, %dma_start3A_42] : memref<64x1024xf32, #tpu.memory_space<vmem>> -> memref<16x1024xf32, #tpu.memory_space<vmem>>
    %dma_start3A_44 = arith.constant 0 : i32
    %dma_start3A_45 = tpu.memref_slice %arg2[%add3A_32, %dma_start3A_44] : memref<32768x1024xf32, #tpu.memory_space<hbm>> -> memref<16x1024xf32, #tpu.memory_space<hbm>>
    tpu.enqueue_dma source(%dma_start3A_45 : memref<16x1024xf32, #tpu.memory_space<hbm>>) target(%dma_start3A_43 : memref<16x1024xf32, #tpu.memory_space<vmem>>) target_semaphore(%arg9 : memref<!tpu.dma_semaphore, #tpu.memory_space<semaphore_mem>>)
    %add3A_46 = arith.constant 48 : i32
    %add3A_47 = arith.addi %mul3A_2, %add3A_46 : i32
    %rem3A_48 = arith.constant 3 : i32
    %rem3A_49 = arith.constant 4 : i32
    %rem3A_50 = arith.remsi %rem3A_48, %rem3A_49 : i32
    %mul3A_51 = arith.constant 16 : i32
    %mul3A_52 = arith.muli %rem3A_50, %mul3A_51 : i32
    %dma_start3A_53 = arith.constant 0 : i32
    %dma_start3A_54 = tpu.memref_slice %arg8[%mul3A_52, %dma_start3A_53] : memref<64x1024xf32, #tpu.memory_space<vmem>> -> memref<16x1024xf32, #tpu.memory_space<vmem>>
    %dma_start3A_55 = arith.constant 0 : i32
    %dma_start3A_56 = tpu.memref_slice %arg2[%add3A_47, %dma_start3A_55] : memref<32768x1024xf32, #tpu.memory_space<hbm>> -> memref<16x1024xf32, #tpu.memory_space<hbm>>
    %dma_start3A_57 = arith.constant 0 : i32
    %dma_start3A_58 = tpu.memref_slice %arg8[%mul3A_52, %dma_start3A_57] : memref<64x1024xf32, #tpu.memory_space<vmem>> -> memref<16x1024xf32, #tpu.memory_space<vmem>>
    %dma_start3A_59 = arith.constant 0 : i32
    %dma_start3A_60 = tpu.memref_slice %arg2[%add3A_47, %dma_start3A_59] : memref<32768x1024xf32, #tpu.memory_space<hbm>> -> memref<16x1024xf32, #tpu.memory_space<hbm>>
    tpu.enqueue_dma source(%dma_start3A_60 : memref<16x1024xf32, #tpu.memory_space<hbm>>) target(%dma_start3A_58 : memref<16x1024xf32, #tpu.memory_space<vmem>>) target_semaphore(%arg9 : memref<!tpu.dma_semaphore, #tpu.memory_space<semaphore_mem>>)
    %scan3A = arith.constant 0 : i32
    %scan3A_61 = arith.constant 0 : i32
    %scan3A_62 = arith.constant 64 : i32
    %scan3A_63 = arith.addi %scan3A_61, %scan3A_62 : i32
    %scan3A_64 = arith.constant 1 : i32
    %scan3A_65 = scf.for %scan3A_81 = %scan3A_61 to %scan3A_63 step %scan3A_64 iter_args(%scan3A_82 = %scan3A) -> (i32)  : i32 {
      %ge3A = arith.constant 1 : i32
      %ge3A_83 = arith.cmpi sge, %scan3A_81, %ge3A : i32
      %convert_element_type3A = arith.extui %ge3A_83 : i1 to i32
      %cond3A = arith.constant 0 : i32
      %cond3A_84 = arith.cmpi ne, %convert_element_type3A, %cond3A : i32
      scf.if %cond3A_84 {
        %sub3A = arith.constant 1 : i32
        %sub3A_116 = arith.subi %scan3A_81, %sub3A : i32
        %rem3A_117 = arith.constant 4 : i32
        %rem3A_118 = arith.remsi %sub3A_116, %rem3A_117 : i32
        %mul3A_119 = arith.constant 16 : i32
        %mul3A_120 = arith.muli %rem3A_118, %mul3A_119 : i32
        %mul3A_121 = arith.constant 16 : i32
        %mul3A_122 = arith.muli %sub3A_116, %mul3A_121 : i32
        %add3A_123 = arith.addi %mul3A_2, %mul3A_122 : i32
        %dma_wait3A_124 = arith.constant 0 : i32
        %dma_wait3A_125 = tpu.memref_slice %arg8[%mul3A_120, %dma_wait3A_124] : memref<64x1024xf32, #tpu.memory_space<vmem>> -> memref<16x1024xf32, #tpu.memory_space<vmem>>
        %dma_wait3A_126 = arith.constant 0 : i32
        %dma_wait3A_127 = tpu.memref_slice %arg7[%add3A_123, %dma_wait3A_126] : memref<32768x1024xf32, #tpu.memory_space<hbm>> -> memref<16x1024xf32, #tpu.memory_space<hbm>>
        %dma_wait3A_128 = arith.constant 0 : i32
        %dma_wait3A_129 = tpu.memref_slice %arg7[%add3A_123, %dma_wait3A_128] : memref<32768x1024xf32, #tpu.memory_space<hbm>> -> memref<16x1024xf32, #tpu.memory_space<hbm>>
        %dma_wait3A_130 = arith.constant 0 : i32
        %dma_wait3A_131 = tpu.memref_slice %arg8[%mul3A_120, %dma_wait3A_130] : memref<64x1024xf32, #tpu.memory_space<vmem>> -> memref<16x1024xf32, #tpu.memory_space<vmem>>
        tpu.wait_dma2 semaphore(%arg10 : memref<!tpu.dma_semaphore, #tpu.memory_space<semaphore_mem>>) src(%dma_wait3A_131 : memref<16x1024xf32, #tpu.memory_space<vmem>>) dst(%dma_wait3A_129 : memref<16x1024xf32, #tpu.memory_space<hbm>>)
        %add3A_132 = arith.constant 4 : i32
        %add3A_133 = arith.addi %scan3A_81, %add3A_132 : i32
        %sub3A_134 = arith.constant 1 : i32
        %sub3A_135 = arith.subi %add3A_133, %sub3A_134 : i32
        %lt3A = arith.constant 64 : i32
        %lt3A_136 = arith.cmpi slt, %sub3A_135, %lt3A : i32
        %convert_element_type3A_137 = arith.extui %lt3A_136 : i1 to i32
        %cond3A_138 = arith.constant 0 : i32
        %cond3A_139 = arith.cmpi ne, %convert_element_type3A_137, %cond3A_138 : i32
        scf.if %cond3A_139 {
          %add3A_140 = arith.constant 4 : i32
          %add3A_141 = arith.addi %scan3A_81, %add3A_140 : i32
          %sub3A_142 = arith.constant 1 : i32
          %sub3A_143 = arith.subi %add3A_141, %sub3A_142 : i32
          %mul3A_144 = arith.constant 16 : i32
          %mul3A_145 = arith.muli %sub3A_143, %mul3A_144 : i32
          %add3A_146 = arith.addi %mul3A_2, %mul3A_145 : i32
          %rem3A_147 = arith.constant 4 : i32
          %rem3A_148 = arith.remsi %sub3A_143, %rem3A_147 : i32
          %mul3A_149 = arith.constant 16 : i32
          %mul3A_150 = arith.muli %rem3A_148, %mul3A_149 : i32
          %dma_start3A_151 = arith.constant 0 : i32
          %dma_start3A_152 = tpu.memref_slice %arg8[%mul3A_150, %dma_start3A_151] : memref<64x1024xf32, #tpu.memory_space<vmem>> -> memref<16x1024xf32, #tpu.memory_space<vmem>>
          %dma_start3A_153 = arith.constant 0 : i32
          %dma_start3A_154 = tpu.memref_slice %arg2[%add3A_146, %dma_start3A_153] : memref<32768x1024xf32, #tpu.memory_space<hbm>> -> memref<16x1024xf32, #tpu.memory_space<hbm>>
          %dma_start3A_155 = arith.constant 0 : i32
          %dma_start3A_156 = tpu.memref_slice %arg8[%mul3A_150, %dma_start3A_155] : memref<64x1024xf32, #tpu.memory_space<vmem>> -> memref<16x1024xf32, #tpu.memory_space<vmem>>
          %dma_start3A_157 = arith.constant 0 : i32
          %dma_start3A_158 = tpu.memref_slice %arg2[%add3A_146, %dma_start3A_157] : memref<32768x1024xf32, #tpu.memory_space<hbm>> -> memref<16x1024xf32, #tpu.memory_space<hbm>>
          tpu.enqueue_dma source(%dma_start3A_158 : memref<16x1024xf32, #tpu.memory_space<hbm>>) target(%dma_start3A_156 : memref<16x1024xf32, #tpu.memory_space<vmem>>) target_semaphore(%arg9 : memref<!tpu.dma_semaphore, #tpu.memory_space<semaphore_mem>>)
        } else {
        }
      } else {
      }
      %mul3A_85 = arith.constant 16 : i32
      %mul3A_86 = arith.muli %scan3A_81, %mul3A_85 : i32
      %add3A_87 = arith.addi %mul3A_2, %mul3A_86 : i32
      %rem3A_88 = arith.constant 4 : i32
      %rem3A_89 = arith.remsi %scan3A_81, %rem3A_88 : i32
      %mul3A_90 = arith.constant 16 : i32
      %mul3A_91 = arith.muli %rem3A_89, %mul3A_90 : i32
      %dma_wait3A_92 = arith.constant 0 : i32
      %dma_wait3A_93 = tpu.memref_slice %arg8[%mul3A_91, %dma_wait3A_92] : memref<64x1024xf32, #tpu.memory_space<vmem>> -> memref<16x1024xf32, #tpu.memory_space<vmem>>
      %dma_wait3A_94 = arith.constant 0 : i32
      %dma_wait3A_95 = tpu.memref_slice %arg2[%add3A_87, %dma_wait3A_94] : memref<32768x1024xf32, #tpu.memory_space<hbm>> -> memref<16x1024xf32, #tpu.memory_space<hbm>>
      %dma_wait3A_96 = arith.constant 0 : i32
      %dma_wait3A_97 = tpu.memref_slice %arg8[%mul3A_91, %dma_wait3A_96] : memref<64x1024xf32, #tpu.memory_space<vmem>> -> memref<16x1024xf32, #tpu.memory_space<vmem>>
      %dma_wait3A_98 = arith.constant 0 : i32
      %dma_wait3A_99 = tpu.memref_slice %arg2[%add3A_87, %dma_wait3A_98] : memref<32768x1024xf32, #tpu.memory_space<hbm>> -> memref<16x1024xf32, #tpu.memory_space<hbm>>
      tpu.wait_dma2 semaphore(%arg9 : memref<!tpu.dma_semaphore, #tpu.memory_space<semaphore_mem>>) src(%dma_wait3A_99 : memref<16x1024xf32, #tpu.memory_space<hbm>>) dst(%dma_wait3A_97 : memref<16x1024xf32, #tpu.memory_space<vmem>>)
      %rem3A_100 = arith.constant 4 : i32
      %rem3A_101 = arith.remsi %scan3A_81, %rem3A_100 : i32
      %mul3A_102 = arith.constant 16 : i32
      %mul3A_103 = arith.muli %rem3A_101, %mul3A_102 : i32
      %mul3A_104 = arith.constant 16 : i32
      %mul3A_105 = arith.muli %scan3A_81, %mul3A_104 : i32
      %add3A_106 = arith.addi %mul3A_2, %mul3A_105 : i32
      %dma_start3A_107 = arith.constant 0 : i32
      %dma_start3A_108 = tpu.memref_slice %arg8[%mul3A_103, %dma_start3A_107] : memref<64x1024xf32, #tpu.memory_space<vmem>> -> memref<16x1024xf32, #tpu.memory_space<vmem>>
      %dma_start3A_109 = arith.constant 0 : i32
      %dma_start3A_110 = tpu.memref_slice %arg7[%add3A_106, %dma_start3A_109] : memref<32768x1024xf32, #tpu.memory_space<hbm>> -> memref<16x1024xf32, #tpu.memory_space<hbm>>
      %dma_start3A_111 = arith.constant 0 : i32
      %dma_start3A_112 = tpu.memref_slice %arg7[%add3A_106, %dma_start3A_111] : memref<32768x1024xf32, #tpu.memory_space<hbm>> -> memref<16x1024xf32, #tpu.memory_space<hbm>>
      %dma_start3A_113 = arith.constant 0 : i32
      %dma_start3A_114 = tpu.memref_slice %arg8[%mul3A_103, %dma_start3A_113] : memref<64x1024xf32, #tpu.memory_space<vmem>> -> memref<16x1024xf32, #tpu.memory_space<vmem>>
      tpu.enqueue_dma source(%dma_start3A_114 : memref<16x1024xf32, #tpu.memory_space<vmem>>) target(%dma_start3A_112 : memref<16x1024xf32, #tpu.memory_space<hbm>>) target_semaphore(%arg10 : memref<!tpu.dma_semaphore, #tpu.memory_space<semaphore_mem>>)
      %scan3A_115 = arith.constant 0 : i32
      scf.yield %scan3A_115 : i32
    }
    %scan3A_66 = arith.constant 64 : i32
    %rem3A_67 = arith.constant 63 : i32
    %rem3A_68 = arith.constant 4 : i32
    %rem3A_69 = arith.remsi %rem3A_67, %rem3A_68 : i32
    %mul3A_70 = arith.constant 16 : i32
    %mul3A_71 = arith.muli %rem3A_69, %mul3A_70 : i32
    %add3A_72 = arith.constant 1008 : i32
    %add3A_73 = arith.addi %mul3A_2, %add3A_72 : i32
    %dma_wait3A = arith.constant 0 : i32
    %dma_wait3A_74 = tpu.memref_slice %arg8[%mul3A_71, %dma_wait3A] : memref<64x1024xf32, #tpu.memory_space<vmem>> -> memref<16x1024xf32, #tpu.memory_space<vmem>>
    %dma_wait3A_75 = arith.constant 0 : i32
    %dma_wait3A_76 = tpu.memref_slice %arg7[%add3A_73, %dma_wait3A_75] : memref<32768x1024xf32, #tpu.memory_space<hbm>> -> memref<16x1024xf32, #tpu.memory_space<hbm>>
    %dma_wait3A_77 = arith.constant 0 : i32
    %dma_wait3A_78 = tpu.memref_slice %arg7[%add3A_73, %dma_wait3A_77] : memref<32768x1024xf32, #tpu.memory_space<hbm>> -> memref<16x1024xf32, #tpu.memory_space<hbm>>
    %dma_wait3A_79 = arith.constant 0 : i32
    %dma_wait3A_80 = tpu.memref_slice %arg8[%mul3A_71, %dma_wait3A_79] : memref<64x1024xf32, #tpu.memory_space<vmem>> -> memref<16x1024xf32, #tpu.memory_space<vmem>>
    tpu.wait_dma2 semaphore(%arg10 : memref<!tpu.dma_semaphore, #tpu.memory_space<semaphore_mem>>) src(%dma_wait3A_80 : memref<16x1024xf32, #tpu.memory_space<vmem>>) dst(%dma_wait3A_78 : memref<16x1024xf32, #tpu.memory_space<hbm>>)
    return
  }
}

</mosaic_0001>

<sc_bundles>
// kernel: kernel.3.cloned.1.call-start
scs
__scs_entry_jumppad:
0x0: {  	(pc) =	sbr.rel $0x88, $3  }
0x1: {  	(tag) =	ssettag $0x0;
	lr =	simm.s32 $0x1  }
0x2: {  	[smem:$0x3F9C] =	sst lr;
	_ =	strace $0xD0000000  }
0x3: {  	_ = 	snop  }
0x4: {  	_ = 	snop  }
0x5: {  	_ = 	snop  }
0x6: {  	_ = 	snop  }
0x7: {  	_ = 	snop  }
__scs_overlays_trampoline_lowered:
0x8: {  	[smem:$0x3FAB] =	sst s0  }
0x9: {  	[smem:$0x3FAC] =	sst s1  }
0xa: {  	[smem:$0x3FAD] =	sst s2  }
0xb: {  	[smem:$0x3FAE] =	sst s3  }
0xc: {  	[smem:$0x3FAF] =	sst s4  }
0xd: {  	[smem:$0x3FB0] =	sst s5  }
0xe: {  	[smem:$0x3FB1] =	sst s6  }
0xf: {  	[smem:$0x3FB2] =	sst s7  }
0x10: {  	[smem:$0x3FB3] =	sst s8  }
0x11: {  	[smem:$0x3FB4] =	sst s9;
	s0 =	simm.s32 @!p0 $0x0  }
0x12: {  	s1 =	sld [smem:$0x3F9A];
	s0 =	simm.s32 @p0 $0x1  }
0x13: {  	[smem:$0x3FB5] =	sst s0;
	s0 =	simm.s32 @!p1 $0x0  }
0x14: {  	s2 =	sld [smem:$0x3F99];
	s0 =	simm.s32 @p1 $0x1  }
0x15: {  	[smem:$0x3FB6] =	sst s0;
	s0 =	simm.s32 @!p2 $0x0  }
0x16: {  	s3 =	sld [smem:$0x3FDB];
	s0 =	simm.s32 @p2 $0x1  }
0x17: {  	s4 =	simm.s32 $0x1BF5;
	[smem:$0x3FB8] =	sst s0  }
0x18: {  	s0 =	sld [smem:$0x3F9B];
	_ =	swait.ge [sflag:s4], $0x0  }
0x19: {  	s7 =	sld [smem:$0x3F9C]  }
0x1a: {  	s8 =	sadd.s32 $0xFFFFE003, lr  }
0x1b: {  	s9 =	sadd.s32 $0xFFFFFEF7, lr;
	s5 =	simm.s32 $0xFFFFFFFF;
	p2 =	slt.u32 s8, $0xFFFFF086  }
0x1c: {  	p1 =	slt.u32 s9, $0xF7A;
	s5 =	simm.s32 @!p2 $0x0  }
0x1d: {  	s5 =	simm.s32 @p1 $0x1;
	p0 =	seq.s32 s7, s2  }
0x1e: {  	s7 =	smul.u32 @!p0 $0xF7A, s2;
	p2 =	seq.s32 @!p0 s5, $0x0  }
0x1f: {  	s9 =	smul.u32 $0xF7A, s1;
	s8 =	simm.s32 @!p0 $0x1BF5;
	p2 =	por !p2, p0  }
0x20: {  	[sflag:s8] =	ssyncset.s32 @!p0 $0xFFFFF086;
	s6 =	sadd.s32 @!p0 s3, s7;
	s7 =	simm.s32 @!p0 $0x108  }
0x21: {  	s3 =	sadd.s32 s3, s9;
	s6 =	sadd.s32 @!p0 $0x88, s6;
	s7 =	simm.s32 @p2 $0x1082  }
0x22: {  	[simem:s7], [sflag:s8] =	dma.local @!p0 [hbm:s6], $0xF7A  }
0x23: {  	s9 =	sor.u32 $0xD0000000, s2;
	s6 =	simm.s32 $0x108;
	_ =	swait.ge @!p0 [sflag:s8], $0x0  }
0x24: {  	s3 =	sadd.s32 $0x88, s3;
	s6 =	simm.s32 @!p1 $0x1082;
	[sflag:s4] =	ssyncset.s32 $0xFFFFF086  }
0x25: {  	[simem:s6], [sflag:s4] =	dma.local [hbm:s3], $0xF7A  }
0x26: {  	[smem:$0x3F9C] =	sst s1;
	(tag) =	ssettag s2;
	_ =	strace s9  }
0x27: {  	s1 =	sld [smem:$0x3FAC]  }
0x28: {  	s2 =	sld [smem:$0x3FAD]  }
0x29: {  	s4 =	sld [smem:$0x3FAF]  }
0x2a: {  	p0 =	seq.s32 s5, $0x0;
	s5 =	sld [smem:$0x3FB0]  }
0x2b: {  	s6 =	sld [smem:$0x3FB1]  }
0x2c: {  	s7 =	sld [smem:$0x3FB2]  }
0x2d: {  	s3 =	simm.s32 $0x108;
	s8 =	sld [smem:$0x3FB3]  }
0x2e: {  	s3 =	simm.s32 @!p0 $0x1082;
	s9 =	sld [smem:$0x3FB4]  }
0x2f: {  	lr =	sadd.s32 s0, s3;
	s0 =	sld [smem:$0x3FAB]  }
0x30: {  	s3 =	sld [smem:$0x3FAE]  }
0x31: {  	[smem:$0x3FB7] =	sst s10  }
0x32: {  	s10 =	sld [smem:$0x3FB5];
	_ =	sdelay $0x3  }
0x33: {  	p0 =	seq.s32 s10, $0x1;
	s10 =	sld [smem:$0x3FB7];
	_ =	sdelay $0x3  }
0x34: {  	[smem:$0x3FB7] =	sst s10  }
0x35: {  	s10 =	sld [smem:$0x3FB6];
	_ =	sdelay $0x3  }
0x36: {  	p1 =	seq.s32 s10, $0x1;
	s10 =	sld [smem:$0x3FB7];
	_ =	sdelay $0x3  }
0x37: {  	[smem:$0x3FB7] =	sst s10  }
0x38: {  	s10 =	sld [smem:$0x3FB8]  }
0x39: {  	_ = 	snop;
	(pc) =	sbr.ind lr, $3  }
0x3a: {  	_ = 	snop  }
0x3b: {  	_ = 	snop  }
0x3c: {  	p2 =	seq.s32 s10, $0x1;
	s10 =	sld [smem:$0x3FB7]  }
0x3d: {  	_ =	shalt  }
0x3e: {  	_ =	shalt  }
0x3f: {  	_ =	shalt  }
0x40: {  	_ =	shalt  }
0x41: {  	_ =	shalt  }
0x42: {  	_ =	shalt  }
0x43: {  	_ =	shalt  }
0x44: {  	_ =	shalt  }
0x45: {  	_ =	shalt  }
0x46: {  	_ =	shalt  }
0x47: {  	_ =	shalt  }
0x48: {  	_ =	shalt  }
0x49: {  	_ =	shalt  }
0x4a: {  	_ =	shalt  }
0x4b: {  	_ =	shalt  }
0x4c: {  	_ =	shalt  }
0x4d: {  	_ =	shalt  }
0x4e: {  	_ =	shalt  }
0x4f: {  	_ =	shalt  }
0x50: {  	_ =	shalt  }
0x51: {  	_ =	shalt  }
0x52: {  	_ =	shalt  }
0x53: {  	_ =	shalt  }
0x54: {  	_ =	shalt  }
0x55: {  	_ =	shalt  }
0x56: {  	_ =	shalt  }
0x57: {  	_ =	shalt  }
0x58: {  	_ =	shalt  }
0x59: {  	_ =	shalt  }
0x5a: {  	_ =	shalt  }
0x5b: {  	_ =	shalt  }
0x5c: {  	_ =	shalt  }
0x5d: {  	_ =	shalt  }
0x5e: {  	_ =	shalt  }
0x5f: {  	_ =	shalt  }
0x60: {  	_ =	shalt  }
0x61: {  	_ =	shalt  }
0x62: {  	_ =	shalt  }
0x63: {  	_ =	shalt  }
0x64: {  	_ =	shalt  }
0x65: {  	_ =	shalt  }
0x66: {  	_ =	shalt  }
0x67: {  	_ =	shalt  }
0x68: {  	_ =	shalt  }
0x69: {  	_ =	shalt  }
0x6a: {  	_ =	shalt  }
0x6b: {  	_ =	shalt  }
0x6c: {  	_ =	shalt  }
0x6d: {  	_ =	shalt  }
0x6e: {  	_ =	shalt  }
0x6f: {  	_ =	shalt  }
0x70: {  	_ =	shalt  }
0x71: {  	_ =	shalt  }
0x72: {  	_ =	shalt  }
0x73: {  	_ =	shalt  }
0x74: {  	_ =	shalt  }
0x75: {  	_ =	shalt  }
0x76: {  	_ =	shalt  }
0x77: {  	_ =	shalt  }
0x78: {  	_ =	shalt  }
0x79: {  	_ =	shalt  }
0x7a: {  	_ =	shalt  }
0x7b: {  	_ =	shalt  }
0x7c: {  	_ =	shalt  }
0x7d: {  	_ =	shalt  }
0x7e: {  	_ =	shalt  }
0x7f: {  	_ =	shalt  }
0x80: {  	_ =	shalt  }
0x81: {  	_ =	shalt  }
0x82: {  	_ =	shalt  }
0x83: {  	_ =	shalt  }
0x84: {  	_ =	shalt  }
0x85: {  	_ =	shalt  }
0x86: {  	_ =	shalt  }
0x87: {  	_ =	shalt  }
.Lfunc_end0:
.L_simem_size_0:
called_computation_lowered:
.L_overlay_start_0:
0x88: {  	s2 =	sld [smem:$0x3FD9]  }
0x89: {  	s3 =	sld [smem:$0x3FFE];
	_ =	sdelay $0x1  }
0x8a: {  	s1 =	srdreg.scid  }
0x8b: {  	s0 =	sand.u32 $0x1, s1  }
0x8c: {  	s18 =	sshll.u32 s0, $0xA;
	s2 =	sadd.s32 s3, s2  }
0x8d: {  	s2 =	sadd.s32 s2, s18  }
0x8e: {  	[smem:$0x3FC3] =	sst s2  }
0x8f: {  	_ = 	snop  }
0x90: {  	s2 =	sld [smem:$0x3FC9]  }
0x91: {  	s19 =	sld [smem:$0x3FD0];
	(tm) =	ssettm $0x1  }
0x92: {  	s4 =	sld [smem:$0x3FFB];
	_ =	sdelay $0x3  }
0x93: {  	_ =	strace s4  }
0x94: {  	s4 =	sld [smem:$0x3FFC];
	_ =	sdelay $0x3  }
0x95: {  	_ =	strace s4  }
0x96: {  	s4 =	sld [smem:$0x3FFD];
	_ =	sdelay $0x3  }
0x97: {  	_ =	strace s4  }
0x98: {  	_ =	strace $0x8FFFFFFF  }
0x99: {  	s20 =	sld [smem:$0x3FDB];
	_ =	sdelay $0x1  }
0x9a: {  	s5 =	simm.s32 $_scs_section_size  }
0x9b: {  	s6 =	simm.s32 $_size__tile_overlayer_lowered;
	s7 =	simm.s32 $_tile_overlayer_lowered  }
0x9c: {  	s23 =	simm.s32 $0x1BFF;
	s22 =	sshll.u32 s7, $0x1;
	s4 =	sadd.s32 s5, s20  }
0x9d: {  	s8 =	simm.s32 $0x0;
	s21 =	sshll.u32 s6, $0x1;
	s6 =	sadd.s32 s22, s4  }
0x9e: {  	[timem:s8], [sflag:s23] =	dma.local [hbm:s6], s21  }
0x9f: {  	_ =	swait.ge [sflag:s23], s21  }
0xa0: {  	s5 =	ssub.s32 $0x0, s21;
	[sflag:s23] =	ssyncset.done $0x0  }
0xa1: {  	[sflag:s23] =	ssyncadd.s32 s5;
	_ =	sdelay $0x1  }
0xa2: {  	s24 =	simm.s32 $0x1B8B  }
0xa3: {  	_ =	swait.ge [sflag:s24], $0x1  }
0xa4: {  	[sflag:s24] =	ssyncset.done $0x0  }
0xa5: {  	s25 =	simm.s32 $0x1B8E;
	[sflag:s24] =	ssyncadd.s32 $0xFFFFFFFF  }
0xa6: {  	s26 =	simm.s32 $execute0_lowered;
	[smem:$0x3FD2] =	sst s25  }
0xa7: {  	s5 =	sshll.u32 s26, $0x1;
	_ =	strace $0x80000046;
	[dreg:$0x1] =	wrdreg $0xFFFFFFFF  }
0xa8: {  	s28 =	simm.s32 $_size_execute0_lowered;
	s4 =	sadd.s32 s4, s5;
	[dreg:$0x0] =	wrdreg $0x0  }
0xa9: {  	s5 =	sshll.u32 s28, $0x1;
	[dreg:$0x2] =	wrdreg s4  }
0xaa: {  	[dreg:$0x3] =	wrdreg s5  }
0xab: {  	[dreg:$0x4] =	wrdreg $0xC0  }
0xac: {  	_ =	task [dreg:s8], $0x5FFFF  }
0xad: {  	[dreg:$0x1] =	wrdreg $0xFFFFFFFF  }
0xae: {  	[dreg:$0x0] =	wrdreg $0x60  }
0xaf: {  	[dreg:$0x2] =	wrdreg s2  }
0xb0: {  	[dreg:$0x3] =	wrdreg s19  }
0xb1: {  	[dreg:$0x4] =	wrdreg $0x9  }
0xb2: {  	_ =	task.clear_ibuf [dreg:s8], $0x5FFFF;
	_ =	strace $0x90000046  }
0xb3: {  	s29 =	simm.s32 $0x9;
	_ =	strace $0x80000048  }
0xb4: {  	_ =	swait.ge [sflag:s29], $0x1  }
0xb5: {  	[sflag:s29] =	ssyncadd.s32 $0xFFFFFFFF  }
0xb6: {  	_ =	strace $0x90000048  }
0xb7: {  	_ =	sfence  }
0xb8: {  	s30 =	sld [smem:$0x0];
	_ =	sdelay $0x2  }
0xb9: {  	s31 =	sshll.u32 s1, $0xD;
	s1 =	sshrl.u32 s1, $0x2  }
0xba: {  	s3 =	sand.u32 $0x4000, s31;
	s1 =	sadd.s32 s1, s30  }
0xbb: {  	s0 =	sor.u32 s3, s0;
	s1 =	sshll.u32 s1, $0x11  }
0xbc: {  	s0 =	sor.u32 s1, s0  }
0xbd: {  	s0 =	sadd.s32 $0x8F2B, s0  }
0xbe: {  	[sflag:s0] =	ssyncadd.remote.s32 $0x1  }
0xbf: {  	_ =	sfence.sel $0xFFFF  }
0xc0: {  	[dreg:$0x0] =	wrdreg $0xFFFFFFFF;
	(pc) =	sbr.abs _section_cstart, $3  }
0xc1: {  	[dreg:$0x1] =	wrdreg $0xFFFFFFFF  }
0xc2: {  	_ =	task.clear_ibuf [dreg:s8], $0x2FFFF;
	_ =	strace $0x9FFFFFFF  }
0xc3: {  	(tm) =	ssettm $0x7FFFFFFF  }
tec
execute0_lowered:
.L_overlay_start_1:
0x0: {  	(tag) =	ssettag $0x1  }
0x1: {  	s7 =	rddreg [dreg:$0x0]  }
0x2: {  	s8 =	rddreg [dreg:$0x1];
	s2 =	srdreg.scid  }
0x3: {  	s0 =	rddreg [dreg:$0x2];
	s1 =	stileid.u32;
	s14 =	simm.s32 $0x2  }
0x4: {  	s15 =	simm.s32 $0x1;
	s16 =	simm.s32 $0x0;
	s3 =	sand.u32 $0x1, s2  }
0x5: {  	s2 =	simm.s32 $0x0;
	s9 =	sshll.u32 s1, $0x12;
	s10 =	sshll.u32 s3, $0x11  }
0x6: {  	[smem:$0x7FF] =	sst s2;
	s4 =	ssub.s32 $0x2, s3;
	s13 =	sadd.s32 s9, s7  }
0x7: {  	s11 =	sor.u32 s10, s9;
	_ =	strace $0x80000047;
	s5 =	sshrl.u32 s4, $0x1  }
0x8: {  	s9 =	sadd.s32 s9, s8;
	s31 =	sadd.s32 s10, s13;
	s13 =	simm.s32 $0xC000  }
0x9: {  	s3 =	sadd.s32 s7, s11;
	s12 =	ssub.s32 s4, s5;
	s7 =	sadd.s32 s8, s11  }
0xa: {  	s10 =	sadd.s32 s10, s9;
	s9 =	sadd.s32 $0x2000, s31;
	s11 =	simm.s32 $0x4000  }
0xb: {  	s4 =	sadd.s32 $0x800, s3;
	s5 =	sadd.s32 $0x1000, s3;
	s6 =	sadd.s32 $0x1800, s3  }
0xc: {  	s8 =	smax.u32 s12, $0x1;
	s10 =	sadd.s32 $0x800, s10;
	s12 =	simm.s32 $0x8000  }
.LBB2_1:
0xd: {  	[tilespmem:s2], [sflag:$0x1] =	stream.linear.gather [hbm4b:s3+s2], $0x4000, $0x38;
	[tilespmem:$0x10000] =	vst v63  }
0xe: {  	_ = 	snop  }
0xf: {  	[tilespmem:s11], [sflag:$0x1] =	stream.linear.gather [hbm4b:s4+s2], $0x4000, $0x38;
	[tilespmem:$0x10000] =	vst v63  }
0x10: {  	_ = 	snop  }
0x11: {  	[tilespmem:s12], [sflag:$0x1] =	stream.linear.gather [hbm4b:s5+s2], $0x4000, $0x38;
	[tilespmem:$0x10000] =	vst v63  }
0x12: {  	_ = 	snop  }
0x13: {  	[tilespmem:s13], [sflag:$0x1] =	stream.linear.gather [hbm4b:s6+s2], $0x4000, $0x38;
	[tilespmem:$0x10000] =	vst v63  }
0x14: {  	_ =	swait.ge [sflag:s15], $0x4000  }
0x15: {  	[sflag:s15] =	ssyncset.done $0x0  }
0x16: {  	s18 =	simm.s32 $0x40000;
	[sflag:s15] =	ssyncadd.s32 $0xFFFFC000  }
0x17: {  	[hbm4b:s7+s2] =	stream.linear.scatter [tilespmem:s2], [sflag:$0x2], $0x4000, $0x38;
	[tilespmem:$0x10000] =	vst v63  }
0x18: {  	p0 =	por $0x0, $0x0;
	s17 =	simm.s32 $0x50000;
	_ =	swait.ge [sflag:s14], $0x4000  }
0x19: {  	s31 =	simm.s32 $0x10000;
	s18 =	sand.u32 @!p0 $0x30000, s18;
	[sflag:s14] =	ssyncset.done $0x0  }
0x1a: {  	s19 =	simm.s32 @!p0 $0x0;
	s18 =	sshrl.u32 @!p0 s18, $0x2;
	[sflag:s14] =	ssyncadd.s32 $0xFFFFC000  }
0x1b: {  	[tilespmem:s18], [sflag:$0x1] =	stream.linear.gather @!p0 [hbm4b:s9+s19], $0x4000, $0x38;
	[tilespmem:$0x10000] =	vst v63  }
0x1c: {  	s21 =	smov.u32 s10;
	s20 =	sand.u32 $0x30000, s31;
	_ =	swait.ge [sflag:s15], $0x4000  }
0x1d: {  	s22 =	sshrl.u32 s20, $0x2;
	s20 =	simm.s32 $0x2;
	[sflag:s15] =	ssyncset.done $0x0  }
0x1e: {  	s18 =	sadd.s32 $0x800, s10;
	s19 =	sadd.s32 $0x800, s9;
	[sflag:s15] =	ssyncadd.s32 $0xFFFFC000  }
.LBB2_2:
0x1f: {  	[hbm4b:s21+s2] =	stream.linear.scatter [tilespmem:s22], [sflag:$0x2], $0x4000, $0x38;
	[tilespmem:$0x10000] =	vst v63  }
0x20: {  	s22 =	smov.u32 s17;
	s17 =	sadd.s32 $0x10000, s17;
	s21 =	smov.u32 s18  }
0x21: {  	p1 =	sgt.u32 s20, $0x3C;
	p0 =	sne.s32 s17, $0x430000;
	_ =	swait.ge [sflag:s14], $0x4000  }
0x22: {  	s23 =	sand.u32 @!p1 $0x30000, s22;
	s24 =	simm.s32 @!p1 $0x0;
	[sflag:s14] =	ssyncset.done $0x0  }
.Ltmp0:
0x23: {  	s23 =	sshrl.u32 @!p1 s23, $0x2;
	[sflag:s14] =	ssyncadd.s32 $0xFFFFC000;
	(pc) =	sbr.rel @p0 .LBB2_2-.Ltmp0, $4  }
0x24: {  	[tilespmem:s23], [sflag:$0x1] =	stream.linear.gather @!p1 [hbm4b:s19+s24], $0x4000, $0x38;
	[tilespmem:$0x10000] =	vst v63  }
0x25: {  	s18 =	sadd.s32 $0x800, s18;
	s22 =	sadd.s32 $0xFFFD0000, s22;
	_ =	swait.ge [sflag:s15], $0x4000  }
0x26: {  	s22 =	sand.u32 $0x30000, s22;
	s19 =	sadd.s32 $0x800, s19;
	[sflag:s15] =	ssyncset.done $0x0  }
0x27: {  	s20 =	sadd.s32 $0x1, s20;
	s22 =	sshrl.u32 s22, $0x2;
	[sflag:s15] =	ssyncadd.s32 $0xFFFFC000  }
0x28: {  	s16 =	sadd.s32 $0x1, s16  }
0x29: {  	p0 =	sne.s32 s16, s8  }
.Ltmp1:
0x2a: {  	_ = 	snop;
	(pc) =	sbr.rel @p0 .LBB2_1-.Ltmp1, $4  }
0x2b: {  	[hbm4b:s21+s2] =	stream.linear.scatter [tilespmem:s22], [sflag:$0x2], $0x4000, $0x38;
	[tilespmem:$0x10000] =	vst v63  }
0x2c: {  	_ =	swait.ge [sflag:s14], $0x4000  }
0x2d: {  	[sflag:s14] =	ssyncset.done $0x0  }
0x2e: {  	[sflag:s14] =	ssyncadd.s32 $0xFFFFC000  }
0x2f: {  	_ =	sfence.sel $0x180000  }
0x30: {  	[bflag:$0x0] =	sbarrier.arrive $0xFFFF  }
0x31: {  	p0 =	sne.s32 s1, $0x0;
	_ =	strace $0x90000047  }
0x32: {  	s0 =	sadd.s32 @!p0 $0x100000, s0;
	[bflag:$0x2] =	sbarrier.arrive $0xFFFF  }
0x33: {  	[sflag:s0] =	ssyncadd.tile.s32 @!p0 $0x1;
	_ =	shalt  }
.Lfunc_end2:
_tile_overlayer_lowered:
.L_overlay_start_2:
0x34: {  	(tag) =	ssettag $0x2  }
0x35: {  	s0 =	rddreg [dreg:$0x0];
	s2 =	stileid.u32  }
0x36: {  	s1 =	rddreg [dreg:$0x1];
	p0 =	sne.s32 s2, $0x0  }
0x37: {  	s3 =	rddreg [dreg:$0x2];
	[bflag:$0x3] =	sbarrier.arrive $0xFFFF;
	s2 =	simm.s32 @!p0 $0x1C03  }
0x38: {  	[timem:s3], [sflag:s2] =	dma.local @!p0 [hbm:s0], s1  }
0x39: {  	s0 =	simm.s32 @!p0 $0x3  }
0x3a: {  	_ =	swait.ge @!p0 [sflag:s0], s1  }
0x3b: {  	s1 =	ssub.s32 @!p0 $0x0, s1;
	[sflag:s0] =	ssyncset.done @!p0 $0x0  }
0x3c: {  	[sflag:s0] =	ssyncadd.s32 @!p0 s1  }
0x3d: {  	[bflag:$0x3] =	sbarrier.arrive $0xFFFF  }
0x3e: {  	_ =	shalt  }

</sc_bundles>
